<compile_context>
chip_gen: v7x
topology: tpu7x:2x2x1
jax: 0.10.2.dev20260603
libtpu: 0.0.44.dev20260713+nightly
codegen_flags: <defaults>
</compile_context>

<pallas_src>
import functools

import jax
import jax.numpy as jnp
from jax import lax
from jax.experimental import pallas as pl
from jax.experimental.pallas import tpu as pltpu
from jax.experimental.pallas import tpu_sc as plsc

_N = 256
_B = 8192
_L = 16
_NC, _NS = 2, 16
_NW = _NC * _NS
_BPW = _B // _NW
_TAB = _N * _N
_TABV = 65808
_INV_H = (_N - 1) / 2.0


def _tec_body(xs_hbm, ys_hbm, wtab_hbm, out_hbm, wtab_sp, wtab_v, xq_v, yq_v,
              out_v, sem):
    c = lax.axis_index("c")
    s = lax.axis_index("s")
    wid = s * _NC + c
    base = wid * _BPW

    @pl.when(s == 0)
    def _():
        pltpu.sync_copy(wtab_hbm, wtab_sp)
    plsc.subcore_barrier()
    table_cp = pltpu.async_copy(wtab_sp, wtab_v.at[pl.ds(0, _TAB)], sem)
    tail_cp = pltpu.async_copy(
        wtab_sp.at[pl.ds(0, _TABV - _TAB)],
        wtab_v.at[pl.ds(_TAB, _TABV - _TAB)],
        sem,
    )
    pltpu.sync_copy(xs_hbm.at[pl.ds(base, _BPW)], xq_v)
    pltpu.sync_copy(ys_hbm.at[pl.ds(base, _BPW)], yq_v)
    table_cp.wait()
    tail_cp.wait()

    def chunk_body(chunk, carry):
        off = chunk * _L
        xs = xq_v[pl.ds(off, _L)]
        ys = yq_v[pl.ds(off, _L)]

        jf = (xs + 1.0) * _INV_H
        yf = (ys + 1.0) * _INV_H
        j0 = jnp.minimum(jf.astype(jnp.int32), _N - 2)
        i0 = jnp.minimum(yf.astype(jnp.int32), _N - 2)
        u = jf - j0.astype(jnp.float32)
        v = yf - i0.astype(jnp.float32)

        def cubic_weights(t):
            t2 = t * t
            t3 = t2 * t
            w0 = -0.5 * (t3 - 2.0 * t2 + t)
            w1 = 1.5 * t3 - 2.5 * t2 + 1.0
            w2 = -1.5 * t3 + 2.0 * t2 + 0.5 * t
            w3 = 0.5 * (t3 - t2)
            return (w0, w1, w2, w3)

        wx = list(cubic_weights(u))
        wy = list(cubic_weights(v))
        zero = jnp.zeros((_L,), jnp.float32)
        wx[3] = jnp.where(j0 == _N - 2, zero, wx[3])
        wy[3] = jnp.where(i0 == _N - 2, zero, wy[3])

        idx00 = i0 * _N + j0 - (_N + 1)
        acc = zero
        for di in range(4):
            for dj in range(4):
                g = plsc.load_gather(wtab_v, [idx00 + (di * _N + dj)])
                acc = acc + g * (wy[di] * wx[dj])
        out_v[pl.ds(off, _L)] = acc
        return carry

    lax.fori_loop(0, _BPW // _L, chunk_body, 0)

    pltpu.sync_copy(out_v, out_hbm.at[pl.ds(base, _BPW)])


@functools.partial(jax.jit, static_argnames=())
def _interp(xs, ys, wtab):
    run = pl.kernel(
        _tec_body,
        out_type=jax.ShapeDtypeStruct((_B,), jnp.float32),
        mesh=plsc.VectorSubcoreMesh(core_axis_name="c", subcore_axis_name="s"),
        compiler_params=pltpu.CompilerParams(needs_layout_passes=False),
        scratch_types=[
            pltpu.VMEM_SHARED((_TAB,), jnp.float32),
            pltpu.VMEM((_TABV,), jnp.float32),
            pltpu.VMEM((_BPW,), jnp.float32),
            pltpu.VMEM((_BPW,), jnp.float32),
            pltpu.VMEM((_BPW,), jnp.float32),
            pltpu.SemaphoreType.DMA,
        ],
    )
    return run(xs, ys, wtab)


def kernel(x, weights, control_points):
    out = _interp(x[:, 0], x[:, 1], weights.reshape(-1))
    return (out, x)

# --- scband reference (transcript-rebuilt; emitter-appended) ---
"""Pipeline reference for scband-spline-network-88450556494338 (READ-ONLY COPY).

The authoritative reference and input builder live on the scoring server;
editing this copy changes nothing except your own understanding.
"""

import jax, jax.numpy as jnp
import numpy as np

N = 256
K = 16
B = 8192
CHUNK = 512


def cubic_conv(s):
    a = jnp.abs(s)
    r1 = 1.5 * a ** 3 - 2.5 * a ** 2 + 1.0
    r2 = -0.5 * a ** 3 + 2.5 * a ** 2 - 4.0 * a + 2.0
    return jnp.where(a < 1.0, r1, jnp.where(a < 2.0, r2, jnp.zeros_like(a)))


def setup_inputs(seed: int = 0) -> dict:
    key = jax.random.key(seed)
    k1, k2 = jax.random.split(key)
    x = jax.random.uniform(k1, (B, 2), dtype=jnp.float32)
    # learned parameter (torch inits to zeros; randn used here for a non-degenerate reference)
    weights = jax.random.normal(k2, (N * N, 1), dtype=jnp.float32)
    # control points: faithful replication of get_mgrid(sidelen=N, dim=2).view(-1, 2)
    lin = jnp.linspace(-1.0, 1.0, N)
    X, Y = jnp.meshgrid(lin, lin, indexing='xy')
    cp = jnp.stack([X, Y], axis=-1).reshape(-1, 2).astype(jnp.float32)
    return {"x": x, "weights": weights, "control_points": cp}


def _forward(x, weights, control_points):
    h_x = jnp.abs(control_points[0, 0] - control_points[1, 0])
    h_y = jnp.abs(control_points[0, 1] - control_points[N, 1])

    def knn_chunk(xc):
        d = ((xc[:, None, :] - control_points[None, :, :]) ** 2).sum(-1)
        _, idx = jax.lax.top_k(-d, K)
        return idx

    idx = jax.lax.map(knn_chunk, x.reshape(-1, CHUNK, 2)).reshape(-1, K)
    idx = jax.lax.stop_gradient(idx)
    neighbors = control_points[idx]              # (B, K, 2) gather
    pair = x[:, None, :] - neighbors             # == pairwise_norm permuted
    input_x = pair[..., 0] / h_x
    input_y = pair[..., 1] / h_y
    conv_out_x = cubic_conv(input_x)
    conv_out_y = cubic_conv(input_y)
    conv_out_prod = conv_out_x * conv_out_y
    w = jnp.take(weights, idx, axis=0)[..., 0]   # (B, K) gather
    output = jnp.sum(w * conv_out_prod, axis=1)
    return output


def reference(x, weights, control_points):
    output = _forward(x, weights, control_points)
    return (output, x)

if __name__ == "__main__":
    import jax
    _d = setup_inputs()
    print(jax.jit(kernel)(*tuple(_d.values())))

</pallas_src>

<mosaic_0001>
#map = affine_map<(d0, d1) -> (0)>
module attributes {stable_mosaic.version = 14 : i64} {
  func.func @_tec_body(%arg0: i32, %arg1: i32, %arg2: memref<8192xf32, #tpu.memory_space<hbm>>, %arg3: memref<8192xf32, #tpu.memory_space<hbm>>, %arg4: memref<65536xf32, #tpu.memory_space<hbm>>, %arg5: memref<8192xf32, #tpu.memory_space<hbm>>, %arg6: memref<65536xf32, #tpu.memory_space<vmem_shared>>, %arg7: memref<65808xf32, #tpu.memory_space<vmem>>, %arg8: memref<256xf32, #tpu.memory_space<vmem>>, %arg9: memref<256xf32, #tpu.memory_space<vmem>>, %arg10: memref<256xf32, #tpu.memory_space<vmem>>, %arg11: memref<!tpu.dma_semaphore, #tpu.memory_space<semaphore_mem>>) attributes {dimension_semantics = [#tpu.dimension_semantics<core_parallel>, #tpu.dimension_semantics<subcore_parallel>], iteration_bounds = array<i64: 2, 16>, scalar_prefetch = 0 : i64, scratch_operands = 6 : i64, tpu.core_type = #tpu.core_type<sc_vector_subcore>, window_params = [{transform_indices = #map}, {transform_indices = #map}, {transform_indices = #map}, {transform_indices = #map}]} {
    %mul3A = arith.constant 2 : i32
    %mul3A_0 = arith.muli %arg1, %mul3A : i32
    %add3A = arith.addi %mul3A_0, %arg0 : i32
    %mul3A_1 = arith.constant 256 : i32
    %mul3A_2 = arith.muli %add3A, %mul3A_1 : i32
    %eq3A = arith.constant 0 : i32
    %eq3A_3 = arith.cmpi eq, %arg1, %eq3A : i32
    %convert_element_type3A = arith.extui %eq3A_3 : i1 to i32
    %cond3A = arith.constant 0 : i32
    %cond3A_4 = arith.cmpi ne, %convert_element_type3A, %cond3A : i32
    scf.if %cond3A_4 {
      "tpu.region"() ({
        %run_scoped3A = tpu.sem_alloc : memref<!tpu.dma_semaphore, #tpu.memory_space<semaphore_mem>>
        tpu.enqueue_dma source(%arg4 : memref<65536xf32, #tpu.memory_space<hbm>>) target(%arg6 : memref<65536xf32, #tpu.memory_space<vmem_shared>>) target_semaphore(%run_scoped3A : memref<!tpu.dma_semaphore, #tpu.memory_space<semaphore_mem>>)
        tpu.wait_dma2 semaphore(%run_scoped3A : memref<!tpu.dma_semaphore, #tpu.memory_space<semaphore_mem>>) src(%arg4 : memref<65536xf32, #tpu.memory_space<hbm>>) dst(%arg6 : memref<65536xf32, #tpu.memory_space<vmem_shared>>)
        tpu.yield
      }) : () -> ()
    } else {
    }
    %barrier3A = arith.constant 0 : index
    tpu.barrier barrier_id(%barrier3A)
    %dma_start3A = arith.constant 0 : i32
    %dma_start3A_5 = tpu.memref_slice %arg7[%dma_start3A] : memref<65808xf32, #tpu.memory_space<vmem>> -> memref<65536xf32, #tpu.memory_space<vmem>>
    %dma_start3A_6 = arith.constant 0 : i32
    %dma_start3A_7 = tpu.memref_slice %arg7[%dma_start3A_6] : memref<65808xf32, #tpu.memory_space<vmem>> -> memref<65536xf32, #tpu.memory_space<vmem>>
    tpu.enqueue_dma source(%arg6 : memref<65536xf32, #tpu.memory_space<vmem_shared>>) target(%dma_start3A_7 : memref<65536xf32, #tpu.memory_space<vmem>>) target_semaphore(%arg11 : memref<!tpu.dma_semaphore, #tpu.memory_space<semaphore_mem>>)
    %dma_start3A_8 = arith.constant 65536 : i32
    %dma_start3A_9 = tpu.memref_slice %arg7[%dma_start3A_8] : memref<65808xf32, #tpu.memory_space<vmem>> -> memref<272xf32, #tpu.memory_space<vmem>>
    %dma_start3A_10 = arith.constant 0 : i32
    %dma_start3A_11 = tpu.memref_slice %arg6[%dma_start3A_10] : memref<65536xf32, #tpu.memory_space<vmem_shared>> -> memref<272xf32, #tpu.memory_space<vmem_shared>>
    %dma_start3A_12 = arith.constant 65536 : i32
    %dma_start3A_13 = tpu.memref_slice %arg7[%dma_start3A_12] : memref<65808xf32, #tpu.memory_space<vmem>> -> memref<272xf32, #tpu.memory_space<vmem>>
    %dma_start3A_14 = arith.constant 0 : i32
    %dma_start3A_15 = tpu.memref_slice %arg6[%dma_start3A_14] : memref<65536xf32, #tpu.memory_space<vmem_shared>> -> memref<272xf32, #tpu.memory_space<vmem_shared>>
    tpu.enqueue_dma source(%dma_start3A_15 : memref<272xf32, #tpu.memory_space<vmem_shared>>) target(%dma_start3A_13 : memref<272xf32, #tpu.memory_space<vmem>>) target_semaphore(%arg11 : memref<!tpu.dma_semaphore, #tpu.memory_space<semaphore_mem>>)
    "tpu.region"() ({
      %run_scoped3A = tpu.sem_alloc : memref<!tpu.dma_semaphore, #tpu.memory_space<semaphore_mem>>
      %dma_start3A_32 = tpu.memref_slice %arg2[%mul3A_2] : memref<8192xf32, #tpu.memory_space<hbm>> -> memref<256xf32, #tpu.memory_space<hbm>>
      %dma_start3A_33 = tpu.memref_slice %arg2[%mul3A_2] : memref<8192xf32, #tpu.memory_space<hbm>> -> memref<256xf32, #tpu.memory_space<hbm>>
      tpu.enqueue_dma source(%dma_start3A_33 : memref<256xf32, #tpu.memory_space<hbm>>) target(%arg8 : memref<256xf32, #tpu.memory_space<vmem>>) target_semaphore(%run_scoped3A : memref<!tpu.dma_semaphore, #tpu.memory_space<semaphore_mem>>)
      %dma_wait3A_34 = tpu.memref_slice %arg2[%mul3A_2] : memref<8192xf32, #tpu.memory_space<hbm>> -> memref<256xf32, #tpu.memory_space<hbm>>
      %dma_wait3A_35 = tpu.memref_slice %arg2[%mul3A_2] : memref<8192xf32, #tpu.memory_space<hbm>> -> memref<256xf32, #tpu.memory_space<hbm>>
      tpu.wait_dma2 semaphore(%run_scoped3A : memref<!tpu.dma_semaphore, #tpu.memory_space<semaphore_mem>>) src(%dma_wait3A_35 : memref<256xf32, #tpu.memory_space<hbm>>) dst(%arg8 : memref<256xf32, #tpu.memory_space<vmem>>)
      tpu.yield
    }) : () -> ()
    "tpu.region"() ({
      %run_scoped3A = tpu.sem_alloc : memref<!tpu.dma_semaphore, #tpu.memory_space<semaphore_mem>>
      %dma_start3A_32 = tpu.memref_slice %arg3[%mul3A_2] : memref<8192xf32, #tpu.memory_space<hbm>> -> memref<256xf32, #tpu.memory_space<hbm>>
      %dma_start3A_33 = tpu.memref_slice %arg3[%mul3A_2] : memref<8192xf32, #tpu.memory_space<hbm>> -> memref<256xf32, #tpu.memory_space<hbm>>
      tpu.enqueue_dma source(%dma_start3A_33 : memref<256xf32, #tpu.memory_space<hbm>>) target(%arg9 : memref<256xf32, #tpu.memory_space<vmem>>) target_semaphore(%run_scoped3A : memref<!tpu.dma_semaphore, #tpu.memory_space<semaphore_mem>>)
      %dma_wait3A_34 = tpu.memref_slice %arg3[%mul3A_2] : memref<8192xf32, #tpu.memory_space<hbm>> -> memref<256xf32, #tpu.memory_space<hbm>>
      %dma_wait3A_35 = tpu.memref_slice %arg3[%mul3A_2] : memref<8192xf32, #tpu.memory_space<hbm>> -> memref<256xf32, #tpu.memory_space<hbm>>
      tpu.wait_dma2 semaphore(%run_scoped3A : memref<!tpu.dma_semaphore, #tpu.memory_space<semaphore_mem>>) src(%dma_wait3A_35 : memref<256xf32, #tpu.memory_space<hbm>>) dst(%arg9 : memref<256xf32, #tpu.memory_space<vmem>>)
      tpu.yield
    }) : () -> ()
    %dma_wait3A = arith.constant 0 : i32
    %dma_wait3A_16 = tpu.memref_slice %arg7[%dma_wait3A] : memref<65808xf32, #tpu.memory_space<vmem>> -> memref<65536xf32, #tpu.memory_space<vmem>>
    %dma_wait3A_17 = arith.constant 0 : i32
    %dma_wait3A_18 = tpu.memref_slice %arg7[%dma_wait3A_17] : memref<65808xf32, #tpu.memory_space<vmem>> -> memref<65536xf32, #tpu.memory_space<vmem>>
    tpu.wait_dma2 semaphore(%arg11 : memref<!tpu.dma_semaphore, #tpu.memory_space<semaphore_mem>>) src(%arg6 : memref<65536xf32, #tpu.memory_space<vmem_shared>>) dst(%dma_wait3A_18 : memref<65536xf32, #tpu.memory_space<vmem>>)
    %dma_wait3A_19 = arith.constant 65536 : i32
    %dma_wait3A_20 = tpu.memref_slice %arg7[%dma_wait3A_19] : memref<65808xf32, #tpu.memory_space<vmem>> -> memref<272xf32, #tpu.memory_space<vmem>>
    %dma_wait3A_21 = arith.constant 0 : i32
    %dma_wait3A_22 = tpu.memref_slice %arg6[%dma_wait3A_21] : memref<65536xf32, #tpu.memory_space<vmem_shared>> -> memref<272xf32, #tpu.memory_space<vmem_shared>>
    %dma_wait3A_23 = arith.constant 65536 : i32
    %dma_wait3A_24 = tpu.memref_slice %arg7[%dma_wait3A_23] : memref<65808xf32, #tpu.memory_space<vmem>> -> memref<272xf32, #tpu.memory_space<vmem>>
    %dma_wait3A_25 = arith.constant 0 : i32
    %dma_wait3A_26 = tpu.memref_slice %arg6[%dma_wait3A_25] : memref<65536xf32, #tpu.memory_space<vmem_shared>> -> memref<272xf32, #tpu.memory_space<vmem_shared>>
    tpu.wait_dma2 semaphore(%arg11 : memref<!tpu.dma_semaphore, #tpu.memory_space<semaphore_mem>>) src(%dma_wait3A_26 : memref<272xf32, #tpu.memory_space<vmem_shared>>) dst(%dma_wait3A_24 : memref<272xf32, #tpu.memory_space<vmem>>)
    %scan3A = arith.constant 0 : i32
    %scan3A_27 = arith.constant 0 : i32
    %scan3A_28 = arith.constant 16 : i32
    %scan3A_29 = arith.addi %scan3A_27, %scan3A_28 : i32
    %scan3A_30 = arith.constant 1 : i32
    scf.for %scan3A_32 = %scan3A_27 to %scan3A_29 step %scan3A_30  : i32 {
      %mul3A_33 = arith.constant 16 : i32
      %mul3A_34 = arith.muli %scan3A_32, %mul3A_33 : i32
      %get3A = arith.index_cast %mul3A_34 : i32 to index
      %get3A_35 = tpu.vector_load %arg8[%get3A] {strides = array<i32>} : memref<256xf32, #tpu.memory_space<vmem>>, vector<16xf32>,
      %get3A_36 = arith.index_cast %mul3A_34 : i32 to index
      %get3A_37 = tpu.vector_load %arg9[%get3A_36] {strides = array<i32>} : memref<256xf32, #tpu.memory_space<vmem>>, vector<16xf32>,
      %add3A_38 = arith.constant 1.000000e+00 : f32
      %add3A_39 = vector.broadcast %add3A_38 : f32 to vector<16xf32>
      %add3A_40 = arith.addf %get3A_35, %add3A_39 : vector<16xf32>
      %mul3A_41 = arith.constant 1.275000e+02 : f32
      %mul3A_42 = vector.broadcast %mul3A_41 : f32 to vector<16xf32>
      %mul3A_43 = arith.mulf %add3A_40, %mul3A_42 : vector<16xf32>
      %add3A_44 = arith.constant 1.000000e+00 : f32
      %add3A_45 = vector.broadcast %add3A_44 : f32 to vector<16xf32>
      %add3A_46 = arith.addf %get3A_37, %add3A_45 : vector<16xf32>
      %mul3A_47 = arith.constant 1.275000e+02 : f32
      %mul3A_48 = vector.broadcast %mul3A_47 : f32 to vector<16xf32>
      %mul3A_49 = arith.mulf %add3A_46, %mul3A_48 : vector<16xf32>
      %convert_element_type3A_50 = arith.fptosi %mul3A_43 : vector<16xf32> to vector<16xi32>
      %min3A = arith.constant 254 : i32
      %min3A_51 = vector.broadcast %min3A : i32 to vector<16xi32>
      %min3A_52 = arith.minsi %convert_element_type3A_50, %min3A_51 : vector<16xi32>
      %convert_element_type3A_53 = arith.fptosi %mul3A_49 : vector<16xf32> to vector<16xi32>
      %min3A_54 = arith.constant 254 : i32
      %min3A_55 = vector.broadcast %min3A_54 : i32 to vector<16xi32>
      %min3A_56 = arith.minsi %convert_element_type3A_53, %min3A_55 : vector<16xi32>
      %convert_element_type3A_57 = arith.sitofp %min3A_52 : vector<16xi32> to vector<16xf32>
      %sub3A = arith.subf %mul3A_43, %convert_element_type3A_57 : vector<16xf32>
      %convert_element_type3A_58 = arith.sitofp %min3A_56 : vector<16xi32> to vector<16xf32>
      %sub3A_59 = arith.subf %mul3A_49, %convert_element_type3A_58 : vector<16xf32>
      %mul3A_60 = arith.mulf %sub3A, %sub3A : vector<16xf32>
      %mul3A_61 = arith.mulf %mul3A_60, %sub3A : vector<16xf32>
      %mul3A_62 = arith.constant 2.000000e+00 : f32
      %mul3A_63 = vector.broadcast %mul3A_62 : f32 to vector<16xf32>
      %mul3A_64 = arith.mulf %mul3A_63, %mul3A_60 : vector<16xf32>
      %sub3A_65 = arith.subf %mul3A_61, %mul3A_64 : vector<16xf32>
      %add3A_66 = arith.addf %sub3A_65, %sub3A : vector<16xf32>
      %mul3A_67 = arith.constant -5.000000e-01 : f32
      %mul3A_68 = vector.broadcast %mul3A_67 : f32 to vector<16xf32>
      %mul3A_69 = arith.mulf %mul3A_68, %add3A_66 : vector<16xf32>
      %mul3A_70 = arith.constant 1.500000e+00 : f32
      %mul3A_71 = vector.broadcast %mul3A_70 : f32 to vector<16xf32>
      %mul3A_72 = arith.mulf %mul3A_71, %mul3A_61 : vector<16xf32>
      %mul3A_73 = arith.constant 2.500000e+00 : f32
      %mul3A_74 = vector.broadcast %mul3A_73 : f32 to vector<16xf32>
      %mul3A_75 = arith.mulf %mul3A_74, %mul3A_60 : vector<16xf32>
      %sub3A_76 = arith.subf %mul3A_72, %mul3A_75 : vector<16xf32>
      %add3A_77 = arith.constant 1.000000e+00 : f32
      %add3A_78 = vector.broadcast %add3A_77 : f32 to vector<16xf32>
      %add3A_79 = arith.addf %sub3A_76, %add3A_78 : vector<16xf32>
      %mul3A_80 = arith.constant -1.500000e+00 : f32
      %mul3A_81 = vector.broadcast %mul3A_80 : f32 to vector<16xf32>
      %mul3A_82 = arith.mulf %mul3A_81, %mul3A_61 : vector<16xf32>
      %mul3A_83 = arith.constant 2.000000e+00 : f32
      %mul3A_84 = vector.broadcast %mul3A_83 : f32 to vector<16xf32>
      %mul3A_85 = arith.mulf %mul3A_84, %mul3A_60 : vector<16xf32>
      %add3A_86 = arith.addf %mul3A_82, %mul3A_85 : vector<16xf32>
      %mul3A_87 = arith.constant 5.000000e-01 : f32
      %mul3A_88 = vector.broadcast %mul3A_87 : f32 to vector<16xf32>
      %mul3A_89 = arith.mulf %mul3A_88, %sub3A : vector<16xf32>
      %add3A_90 = arith.addf %add3A_86, %mul3A_89 : vector<16xf32>
      %sub3A_91 = arith.subf %mul3A_61, %mul3A_60 : vector<16xf32>
      %mul3A_92 = arith.constant 5.000000e-01 : f32
      %mul3A_93 = vector.broadcast %mul3A_92 : f32 to vector<16xf32>
      %mul3A_94 = arith.mulf %mul3A_93, %sub3A_91 : vector<16xf32>
      %mul3A_95 = arith.mulf %sub3A_59, %sub3A_59 : vector<16xf32>
      %mul3A_96 = arith.mulf %mul3A_95, %sub3A_59 : vector<16xf32>
      %mul3A_97 = arith.constant 2.000000e+00 : f32
      %mul3A_98 = vector.broadcast %mul3A_97 : f32 to vector<16xf32>
      %mul3A_99 = arith.mulf %mul3A_98, %mul3A_95 : vector<16xf32>
      %sub3A_100 = arith.subf %mul3A_96, %mul3A_99 : vector<16xf32>
      %add3A_101 = arith.addf %sub3A_100, %sub3A_59 : vector<16xf32>
      %mul3A_102 = arith.constant -5.000000e-01 : f32
      %mul3A_103 = vector.broadcast %mul3A_102 : f32 to vector<16xf32>
      %mul3A_104 = arith.mulf %mul3A_103, %add3A_101 : vector<16xf32>
      %mul3A_105 = arith.constant 1.500000e+00 : f32
      %mul3A_106 = vector.broadcast %mul3A_105 : f32 to vector<16xf32>
      %mul3A_107 = arith.mulf %mul3A_106, %mul3A_96 : vector<16xf32>
      %mul3A_108 = arith.constant 2.500000e+00 : f32
      %mul3A_109 = vector.broadcast %mul3A_108 : f32 to vector<16xf32>
      %mul3A_110 = arith.mulf %mul3A_109, %mul3A_95 : vector<16xf32>
      %sub3A_111 = arith.subf %mul3A_107, %mul3A_110 : vector<16xf32>
      %add3A_112 = arith.constant 1.000000e+00 : f32
      %add3A_113 = vector.broadcast %add3A_112 : f32 to vector<16xf32>
      %add3A_114 = arith.addf %sub3A_111, %add3A_113 : vector<16xf32>
      %mul3A_115 = arith.constant -1.500000e+00 : f32
      %mul3A_116 = vector.broadcast %mul3A_115 : f32 to vector<16xf32>
      %mul3A_117 = arith.mulf %mul3A_116, %mul3A_96 : vector<16xf32>
      %mul3A_118 = arith.constant 2.000000e+00 : f32
      %mul3A_119 = vector.broadcast %mul3A_118 : f32 to vector<16xf32>
      %mul3A_120 = arith.mulf %mul3A_119, %mul3A_95 : vector<16xf32>
      %add3A_121 = arith.addf %mul3A_117, %mul3A_120 : vector<16xf32>
      %mul3A_122 = arith.constant 5.000000e-01 : f32
      %mul3A_123 = vector.broadcast %mul3A_122 : f32 to vector<16xf32>
      %mul3A_124 = arith.mulf %mul3A_123, %sub3A_59 : vector<16xf32>
      %add3A_125 = arith.addf %add3A_121, %mul3A_124 : vector<16xf32>
      %sub3A_126 = arith.subf %mul3A_96, %mul3A_95 : vector<16xf32>
      %mul3A_127 = arith.constant 5.000000e-01 : f32
      %mul3A_128 = vector.broadcast %mul3A_127 : f32 to vector<16xf32>
      %mul3A_129 = arith.mulf %mul3A_128, %sub3A_126 : vector<16xf32>
      %broadcast_in_dim3A = arith.constant 0.000000e+00 : f32
      %broadcast_in_dim3A_130 = vector.broadcast %broadcast_in_dim3A : f32 to vector<16xf32>
      %eq3A_131 = arith.constant 254 : i32
      %eq3A_132 = vector.broadcast %eq3A_131 : i32 to vector<16xi32>
      %eq3A_133 = arith.cmpi eq, %min3A_52, %eq3A_132 : vector<16xi32>
      %select_n3A = arith.select %eq3A_133, %broadcast_in_dim3A_130, %mul3A_94 : vector<16xi1>, vector<16xf32>
      %eq3A_134 = arith.constant 254 : i32
      %eq3A_135 = vector.broadcast %eq3A_134 : i32 to vector<16xi32>
      %eq3A_136 = arith.cmpi eq, %min3A_56, %eq3A_135 : vector<16xi32>
      %select_n3A_137 = arith.select %eq3A_136, %broadcast_in_dim3A_130, %mul3A_129 : vector<16xi1>, vector<16xf32>
      %mul3A_138 = arith.constant 256 : i32
      %mul3A_139 = vector.broadcast %mul3A_138 : i32 to vector<16xi32>
      %mul3A_140 = arith.muli %min3A_56, %mul3A_139 : vector<16xi32>
      %add3A_141 = arith.addi %mul3A_140, %min3A_52 : vector<16xi32>
      %sub3A_142 = arith.constant 257 : i32
      %sub3A_143 = vector.broadcast %sub3A_142 : i32 to vector<16xi32>
      %sub3A_144 = arith.subi %add3A_141, %sub3A_143 : vector<16xi32>
      %add3A_145 = arith.constant 0 : i32
      %add3A_146 = vector.broadcast %add3A_145 : i32 to vector<16xi32>
      %add3A_147 = arith.addi %sub3A_144, %add3A_146 : vector<16xi32>
      %gather3A = tpu.vector_load_idx %arg7[%add3A_147] : memref<65808xf32, #tpu.memory_space<vmem>>[vector<16xi32>], vector<16xf32>,
      %mul3A_148 = arith.mulf %mul3A_104, %mul3A_69 : vector<16xf32>
      %mul3A_149 = arith.mulf %gather3A, %mul3A_148 : vector<16xf32>
      %add3A_150 = arith.addf %broadcast_in_dim3A_130, %mul3A_149 : vector<16xf32>
      %add3A_151 = arith.constant 1 : i32
      %add3A_152 = vector.broadcast %add3A_151 : i32 to vector<16xi32>
      %add3A_153 = arith.addi %sub3A_144, %add3A_152 : vector<16xi32>
      %gather3A_154 = tpu.vector_load_idx %arg7[%add3A_153] : memref<65808xf32, #tpu.memory_space<vmem>>[vector<16xi32>], vector<16xf32>,
      %mul3A_155 = arith.mulf %mul3A_104, %add3A_79 : vector<16xf32>
      %mul3A_156 = arith.mulf %gather3A_154, %mul3A_155 : vector<16xf32>
      %add3A_157 = arith.addf %add3A_150, %mul3A_156 : vector<16xf32>
      %add3A_158 = arith.constant 2 : i32
      %add3A_159 = vector.broadcast %add3A_158 : i32 to vector<16xi32>
      %add3A_160 = arith.addi %sub3A_144, %add3A_159 : vector<16xi32>
      %gather3A_161 = tpu.vector_load_idx %arg7[%add3A_160] : memref<65808xf32, #tpu.memory_space<vmem>>[vector<16xi32>], vector<16xf32>,
      %mul3A_162 = arith.mulf %mul3A_104, %add3A_90 : vector<16xf32>
      %mul3A_163 = arith.mulf %gather3A_161, %mul3A_162 : vector<16xf32>
      %add3A_164 = arith.addf %add3A_157, %mul3A_163 : vector<16xf32>
      %add3A_165 = arith.constant 3 : i32
      %add3A_166 = vector.broadcast %add3A_165 : i32 to vector<16xi32>
      %add3A_167 = arith.addi %sub3A_144, %add3A_166 : vector<16xi32>
      %gather3A_168 = tpu.vector_load_idx %arg7[%add3A_167] : memref<65808xf32, #tpu.memory_space<vmem>>[vector<16xi32>], vector<16xf32>,
      %mul3A_169 = arith.mulf %mul3A_104, %select_n3A : vector<16xf32>
      %mul3A_170 = arith.mulf %gather3A_168, %mul3A_169 : vector<16xf32>
      %add3A_171 = arith.addf %add3A_164, %mul3A_170 : vector<16xf32>
      %add3A_172 = arith.constant 256 : i32
      %add3A_173 = vector.broadcast %add3A_172 : i32 to vector<16xi32>
      %add3A_174 = arith.addi %sub3A_144, %add3A_173 : vector<16xi32>
      %gather3A_175 = tpu.vector_load_idx %arg7[%add3A_174] : memref<65808xf32, #tpu.memory_space<vmem>>[vector<16xi32>], vector<16xf32>,
      %mul3A_176 = arith.mulf %add3A_114, %mul3A_69 : vector<16xf32>
      %mul3A_177 = arith.mulf %gather3A_175, %mul3A_176 : vector<16xf32>
      %add3A_178 = arith.addf %add3A_171, %mul3A_177 : vector<16xf32>
      %add3A_179 = arith.constant 257 : i32
      %add3A_180 = vector.broadcast %add3A_179 : i32 to vector<16xi32>
      %add3A_181 = arith.addi %sub3A_144, %add3A_180 : vector<16xi32>
      %gather3A_182 = tpu.vector_load_idx %arg7[%add3A_181] : memref<65808xf32, #tpu.memory_space<vmem>>[vector<16xi32>], vector<16xf32>,
      %mul3A_183 = arith.mulf %add3A_114, %add3A_79 : vector<16xf32>
      %mul3A_184 = arith.mulf %gather3A_182, %mul3A_183 : vector<16xf32>
      %add3A_185 = arith.addf %add3A_178, %mul3A_184 : vector<16xf32>
      %add3A_186 = arith.constant 258 : i32
      %add3A_187 = vector.broadcast %add3A_186 : i32 to vector<16xi32>
      %add3A_188 = arith.addi %sub3A_144, %add3A_187 : vector<16xi32>
      %gather3A_189 = tpu.vector_load_idx %arg7[%add3A_188] : memref<65808xf32, #tpu.memory_space<vmem>>[vector<16xi32>], vector<16xf32>,
      %mul3A_190 = arith.mulf %add3A_114, %add3A_90 : vector<16xf32>
      %mul3A_191 = arith.mulf %gather3A_189, %mul3A_190 : vector<16xf32>
      %add3A_192 = arith.addf %add3A_185, %mul3A_191 : vector<16xf32>
      %add3A_193 = arith.constant 259 : i32
      %add3A_194 = vector.broadcast %add3A_193 : i32 to vector<16xi32>
      %add3A_195 = arith.addi %sub3A_144, %add3A_194 : vector<16xi32>
      %gather3A_196 = tpu.vector_load_idx %arg7[%add3A_195] : memref<65808xf32, #tpu.memory_space<vmem>>[vector<16xi32>], vector<16xf32>,
      %mul3A_197 = arith.mulf %add3A_114, %select_n3A : vector<16xf32>
      %mul3A_198 = arith.mulf %gather3A_196, %mul3A_197 : vector<16xf32>
      %add3A_199 = arith.addf %add3A_192, %mul3A_198 : vector<16xf32>
      %add3A_200 = arith.constant 512 : i32
      %add3A_201 = vector.broadcast %add3A_200 : i32 to vector<16xi32>
      %add3A_202 = arith.addi %sub3A_144, %add3A_201 : vector<16xi32>
      %gather3A_203 = tpu.vector_load_idx %arg7[%add3A_202] : memref<65808xf32, #tpu.memory_space<vmem>>[vector<16xi32>], vector<16xf32>,
      %mul3A_204 = arith.mulf %add3A_125, %mul3A_69 : vector<16xf32>
      %mul3A_205 = arith.mulf %gather3A_203, %mul3A_204 : vector<16xf32>
      %add3A_206 = arith.addf %add3A_199, %mul3A_205 : vector<16xf32>
      %add3A_207 = arith.constant 513 : i32
      %add3A_208 = vector.broadcast %add3A_207 : i32 to vector<16xi32>
      %add3A_209 = arith.addi %sub3A_144, %add3A_208 : vector<16xi32>
      %gather3A_210 = tpu.vector_load_idx %arg7[%add3A_209] : memref<65808xf32, #tpu.memory_space<vmem>>[vector<16xi32>], vector<16xf32>,
      %mul3A_211 = arith.mulf %add3A_125, %add3A_79 : vector<16xf32>
      %mul3A_212 = arith.mulf %gather3A_210, %mul3A_211 : vector<16xf32>
      %add3A_213 = arith.addf %add3A_206, %mul3A_212 : vector<16xf32>
      %add3A_214 = arith.constant 514 : i32
      %add3A_215 = vector.broadcast %add3A_214 : i32 to vector<16xi32>
      %add3A_216 = arith.addi %sub3A_144, %add3A_215 : vector<16xi32>
      %gather3A_217 = tpu.vector_load_idx %arg7[%add3A_216] : memref<65808xf32, #tpu.memory_space<vmem>>[vector<16xi32>], vector<16xf32>,
      %mul3A_218 = arith.mulf %add3A_125, %add3A_90 : vector<16xf32>
      %mul3A_219 = arith.mulf %gather3A_217, %mul3A_218 : vector<16xf32>
      %add3A_220 = arith.addf %add3A_213, %mul3A_219 : vector<16xf32>
      %add3A_221 = arith.constant 515 : i32
      %add3A_222 = vector.broadcast %add3A_221 : i32 to vector<16xi32>
      %add3A_223 = arith.addi %sub3A_144, %add3A_222 : vector<16xi32>
      %gather3A_224 = tpu.vector_load_idx %arg7[%add3A_223] : memref<65808xf32, #tpu.memory_space<vmem>>[vector<16xi32>], vector<16xf32>,
      %mul3A_225 = arith.mulf %add3A_125, %select_n3A : vector<16xf32>
      %mul3A_226 = arith.mulf %gather3A_224, %mul3A_225 : vector<16xf32>
      %add3A_227 = arith.addf %add3A_220, %mul3A_226 : vector<16xf32>
      %add3A_228 = arith.constant 768 : i32
      %add3A_229 = vector.broadcast %add3A_228 : i32 to vector<16xi32>
      %add3A_230 = arith.addi %sub3A_144, %add3A_229 : vector<16xi32>
      %gather3A_231 = tpu.vector_load_idx %arg7[%add3A_230] : memref<65808xf32, #tpu.memory_space<vmem>>[vector<16xi32>], vector<16xf32>,
      %mul3A_232 = arith.mulf %select_n3A_137, %mul3A_69 : vector<16xf32>
      %mul3A_233 = arith.mulf %gather3A_231, %mul3A_232 : vector<16xf32>
      %add3A_234 = arith.addf %add3A_227, %mul3A_233 : vector<16xf32>
      %add3A_235 = arith.constant 769 : i32
      %add3A_236 = vector.broadcast %add3A_235 : i32 to vector<16xi32>
      %add3A_237 = arith.addi %sub3A_144, %add3A_236 : vector<16xi32>
      %gather3A_238 = tpu.vector_load_idx %arg7[%add3A_237] : memref<65808xf32, #tpu.memory_space<vmem>>[vector<16xi32>], vector<16xf32>,
      %mul3A_239 = arith.mulf %select_n3A_137, %add3A_79 : vector<16xf32>
      %mul3A_240 = arith.mulf %gather3A_238, %mul3A_239 : vector<16xf32>
      %add3A_241 = arith.addf %add3A_234, %mul3A_240 : vector<16xf32>
      %add3A_242 = arith.constant 770 : i32
      %add3A_243 = vector.broadcast %add3A_242 : i32 to vector<16xi32>
      %add3A_244 = arith.addi %sub3A_144, %add3A_243 : vector<16xi32>
      %gather3A_245 = tpu.vector_load_idx %arg7[%add3A_244] : memref<65808xf32, #tpu.memory_space<vmem>>[vector<16xi32>], vector<16xf32>,
      %mul3A_246 = arith.mulf %select_n3A_137, %add3A_90 : vector<16xf32>
      %mul3A_247 = arith.mulf %gather3A_245, %mul3A_246 : vector<16xf32>
      %add3A_248 = arith.addf %add3A_241, %mul3A_247 : vector<16xf32>
      %add3A_249 = arith.constant 771 : i32
      %add3A_250 = vector.broadcast %add3A_249 : i32 to vector<16xi32>
      %add3A_251 = arith.addi %sub3A_144, %add3A_250 : vector<16xi32>
      %gather3A_252 = tpu.vector_load_idx %arg7[%add3A_251] : memref<65808xf32, #tpu.memory_space<vmem>>[vector<16xi32>], vector<16xf32>,
      %mul3A_253 = arith.mulf %select_n3A_137, %select_n3A : vector<16xf32>
      %mul3A_254 = arith.mulf %gather3A_252, %mul3A_253 : vector<16xf32>
      %add3A_255 = arith.addf %add3A_248, %mul3A_254 : vector<16xf32>
      %swap3A = arith.index_cast %mul3A_34 : i32 to index
      %swap3A_256 = tpu.vector_load %arg10[%swap3A] {strides = array<i32>} : memref<256xf32, #tpu.memory_space<vmem>>, vector<16xf32>,
      tpu.vector_store %arg10[%swap3A], %add3A_255 {strides = array<i32>} : memref<256xf32, #tpu.memory_space<vmem>>, vector<16xf32>,
    }
    %scan3A_31 = arith.constant 16 : i32
    "tpu.region"() ({
      %run_scoped3A = tpu.sem_alloc : memref<!tpu.dma_semaphore, #tpu.memory_space<semaphore_mem>>
      %dma_start3A_32 = tpu.memref_slice %arg5[%mul3A_2] : memref<8192xf32, #tpu.memory_space<hbm>> -> memref<256xf32, #tpu.memory_space<hbm>>
      %dma_start3A_33 = tpu.memref_slice %arg5[%mul3A_2] : memref<8192xf32, #tpu.memory_space<hbm>> -> memref<256xf32, #tpu.memory_space<hbm>>
      tpu.enqueue_dma source(%arg10 : memref<256xf32, #tpu.memory_space<vmem>>) target(%dma_start3A_33 : memref<256xf32, #tpu.memory_space<hbm>>) target_semaphore(%run_scoped3A : memref<!tpu.dma_semaphore, #tpu.memory_space<semaphore_mem>>)
      %dma_wait3A_34 = tpu.memref_slice %arg5[%mul3A_2] : memref<8192xf32, #tpu.memory_space<hbm>> -> memref<256xf32, #tpu.memory_space<hbm>>
      %dma_wait3A_35 = tpu.memref_slice %arg5[%mul3A_2] : memref<8192xf32, #tpu.memory_space<hbm>> -> memref<256xf32, #tpu.memory_space<hbm>>
      tpu.wait_dma2 semaphore(%run_scoped3A : memref<!tpu.dma_semaphore, #tpu.memory_space<semaphore_mem>>) src(%arg10 : memref<256xf32, #tpu.memory_space<vmem>>) dst(%dma_wait3A_35 : memref<256xf32, #tpu.memory_space<hbm>>)
      tpu.yield
    }) : () -> ()
    return
  }
}

</mosaic_0001>

<sc_bundles>
// kernel: _interp.3.cloned.1.call-start
scs
__scs_entry_jumppad:
0x0: {  	(pc) =	sbr.rel $0x88, $3  }
0x1: {  	(tag) =	ssettag $0x0;
	lr =	simm.s32 $0x1  }
0x2: {  	[smem:$0x3F9E] =	sst lr;
	_ =	strace $0xD0000000  }
0x3: {  	_ = 	snop  }
0x4: {  	_ = 	snop  }
0x5: {  	_ = 	snop  }
0x6: {  	_ = 	snop  }
0x7: {  	_ = 	snop  }
__scs_overlays_trampoline_lowered:
0x8: {  	[smem:$0x3FAD] =	sst s0  }
0x9: {  	[smem:$0x3FAE] =	sst s1  }
0xa: {  	[smem:$0x3FAF] =	sst s2  }
0xb: {  	[smem:$0x3FB0] =	sst s3  }
0xc: {  	[smem:$0x3FB1] =	sst s4  }
0xd: {  	[smem:$0x3FB2] =	sst s5  }
0xe: {  	[smem:$0x3FB3] =	sst s6  }
0xf: {  	[smem:$0x3FB4] =	sst s7  }
0x10: {  	[smem:$0x3FB5] =	sst s8  }
0x11: {  	[smem:$0x3FB6] =	sst s9;
	s0 =	simm.s32 @!p0 $0x0  }
0x12: {  	s1 =	sld [smem:$0x3F9C];
	s0 =	simm.s32 @p0 $0x1  }
0x13: {  	[smem:$0x3FB7] =	sst s0;
	s0 =	simm.s32 @!p1 $0x0  }
0x14: {  	s2 =	sld [smem:$0x3F9B];
	s0 =	simm.s32 @p1 $0x1  }
0x15: {  	[smem:$0x3FB8] =	sst s0;
	s0 =	simm.s32 @!p2 $0x0  }
0x16: {  	s3 =	sld [smem:$0x3FDB];
	s0 =	simm.s32 @p2 $0x1  }
0x17: {  	s4 =	simm.s32 $0x1BF5;
	[smem:$0x3FBA] =	sst s0  }
0x18: {  	s0 =	sld [smem:$0x3F9D];
	_ =	swait.ge [sflag:s4], $0x0  }
0x19: {  	s7 =	sld [smem:$0x3F9E]  }
0x1a: {  	s8 =	sadd.s32 $0xFFFFE003, lr  }
0x1b: {  	s9 =	sadd.s32 $0xFFFFFEF7, lr;
	s5 =	simm.s32 $0xFFFFFFFF;
	p2 =	slt.u32 s8, $0xFFFFF086  }
0x1c: {  	p1 =	slt.u32 s9, $0xF7A;
	s5 =	simm.s32 @!p2 $0x0  }
0x1d: {  	s5 =	simm.s32 @p1 $0x1;
	p0 =	seq.s32 s7, s2  }
0x1e: {  	s7 =	smul.u32 @!p0 $0xF7A, s2;
	p2 =	seq.s32 @!p0 s5, $0x0  }
0x1f: {  	s9 =	smul.u32 $0xF7A, s1;
	s8 =	simm.s32 @!p0 $0x1BF5;
	p2 =	por !p2, p0  }
0x20: {  	[sflag:s8] =	ssyncset.s32 @!p0 $0xFFFFF086;
	s6 =	sadd.s32 @!p0 s3, s7;
	s7 =	simm.s32 @!p0 $0x108  }
0x21: {  	s3 =	sadd.s32 s3, s9;
	s6 =	sadd.s32 @!p0 $0x88, s6;
	s7 =	simm.s32 @p2 $0x1082  }
0x22: {  	[simem:s7], [sflag:s8] =	dma.local @!p0 [hbm:s6], $0xF7A  }
0x23: {  	s9 =	sor.u32 $0xD0000000, s2;
	s6 =	simm.s32 $0x108;
	_ =	swait.ge @!p0 [sflag:s8], $0x0  }
0x24: {  	s3 =	sadd.s32 $0x88, s3;
	s6 =	simm.s32 @!p1 $0x1082;
	[sflag:s4] =	ssyncset.s32 $0xFFFFF086  }
0x25: {  	[simem:s6], [sflag:s4] =	dma.local [hbm:s3], $0xF7A  }
0x26: {  	[smem:$0x3F9E] =	sst s1;
	(tag) =	ssettag s2;
	_ =	strace s9  }
0x27: {  	s1 =	sld [smem:$0x3FAE]  }
0x28: {  	s2 =	sld [smem:$0x3FAF]  }
0x29: {  	s4 =	sld [smem:$0x3FB1]  }
0x2a: {  	p0 =	seq.s32 s5, $0x0;
	s5 =	sld [smem:$0x3FB2]  }
0x2b: {  	s6 =	sld [smem:$0x3FB3]  }
0x2c: {  	s7 =	sld [smem:$0x3FB4]  }
0x2d: {  	s3 =	simm.s32 $0x108;
	s8 =	sld [smem:$0x3FB5]  }
0x2e: {  	s3 =	simm.s32 @!p0 $0x1082;
	s9 =	sld [smem:$0x3FB6]  }
0x2f: {  	lr =	sadd.s32 s0, s3;
	s0 =	sld [smem:$0x3FAD]  }
0x30: {  	s3 =	sld [smem:$0x3FB0]  }
0x31: {  	[smem:$0x3FB9] =	sst s10  }
0x32: {  	s10 =	sld [smem:$0x3FB7];
	_ =	sdelay $0x3  }
0x33: {  	p0 =	seq.s32 s10, $0x1;
	s10 =	sld [smem:$0x3FB9];
	_ =	sdelay $0x3  }
0x34: {  	[smem:$0x3FB9] =	sst s10  }
0x35: {  	s10 =	sld [smem:$0x3FB8];
	_ =	sdelay $0x3  }
0x36: {  	p1 =	seq.s32 s10, $0x1;
	s10 =	sld [smem:$0x3FB9];
	_ =	sdelay $0x3  }
0x37: {  	[smem:$0x3FB9] =	sst s10  }
0x38: {  	s10 =	sld [smem:$0x3FBA]  }
0x39: {  	_ = 	snop;
	(pc) =	sbr.ind lr, $3  }
0x3a: {  	_ = 	snop  }
0x3b: {  	_ = 	snop  }
0x3c: {  	p2 =	seq.s32 s10, $0x1;
	s10 =	sld [smem:$0x3FB9]  }
0x3d: {  	_ =	shalt  }
0x3e: {  	_ =	shalt  }
0x3f: {  	_ =	shalt  }
0x40: {  	_ =	shalt  }
0x41: {  	_ =	shalt  }
0x42: {  	_ =	shalt  }
0x43: {  	_ =	shalt  }
0x44: {  	_ =	shalt  }
0x45: {  	_ =	shalt  }
0x46: {  	_ =	shalt  }
0x47: {  	_ =	shalt  }
0x48: {  	_ =	shalt  }
0x49: {  	_ =	shalt  }
0x4a: {  	_ =	shalt  }
0x4b: {  	_ =	shalt  }
0x4c: {  	_ =	shalt  }
0x4d: {  	_ =	shalt  }
0x4e: {  	_ =	shalt  }
0x4f: {  	_ =	shalt  }
0x50: {  	_ =	shalt  }
0x51: {  	_ =	shalt  }
0x52: {  	_ =	shalt  }
0x53: {  	_ =	shalt  }
0x54: {  	_ =	shalt  }
0x55: {  	_ =	shalt  }
0x56: {  	_ =	shalt  }
0x57: {  	_ =	shalt  }
0x58: {  	_ =	shalt  }
0x59: {  	_ =	shalt  }
0x5a: {  	_ =	shalt  }
0x5b: {  	_ =	shalt  }
0x5c: {  	_ =	shalt  }
0x5d: {  	_ =	shalt  }
0x5e: {  	_ =	shalt  }
0x5f: {  	_ =	shalt  }
0x60: {  	_ =	shalt  }
0x61: {  	_ =	shalt  }
0x62: {  	_ =	shalt  }
0x63: {  	_ =	shalt  }
0x64: {  	_ =	shalt  }
0x65: {  	_ =	shalt  }
0x66: {  	_ =	shalt  }
0x67: {  	_ =	shalt  }
0x68: {  	_ =	shalt  }
0x69: {  	_ =	shalt  }
0x6a: {  	_ =	shalt  }
0x6b: {  	_ =	shalt  }
0x6c: {  	_ =	shalt  }
0x6d: {  	_ =	shalt  }
0x6e: {  	_ =	shalt  }
0x6f: {  	_ =	shalt  }
0x70: {  	_ =	shalt  }
0x71: {  	_ =	shalt  }
0x72: {  	_ =	shalt  }
0x73: {  	_ =	shalt  }
0x74: {  	_ =	shalt  }
0x75: {  	_ =	shalt  }
0x76: {  	_ =	shalt  }
0x77: {  	_ =	shalt  }
0x78: {  	_ =	shalt  }
0x79: {  	_ =	shalt  }
0x7a: {  	_ =	shalt  }
0x7b: {  	_ =	shalt  }
0x7c: {  	_ =	shalt  }
0x7d: {  	_ =	shalt  }
0x7e: {  	_ =	shalt  }
0x7f: {  	_ =	shalt  }
0x80: {  	_ =	shalt  }
0x81: {  	_ =	shalt  }
0x82: {  	_ =	shalt  }
0x83: {  	_ =	shalt  }
0x84: {  	_ =	shalt  }
0x85: {  	_ =	shalt  }
0x86: {  	_ =	shalt  }
0x87: {  	_ =	shalt  }
.Lfunc_end0:
.L_simem_size_0:
called_computation_lowered:
.L_overlay_start_0:
0x88: {  	s2 =	sld [smem:$0x3FD9]  }
0x89: {  	s3 =	sld [smem:$0x3FFE];
	_ =	sdelay $0x1  }
0x8a: {  	s1 =	srdreg.scid  }
0x8b: {  	s0 =	sand.u32 $0x1, s1  }
0x8c: {  	s18 =	sshll.u32 s0, $0xA;
	s2 =	sadd.s32 s3, s2  }
0x8d: {  	s2 =	sadd.s32 s2, s18  }
0x8e: {  	[smem:$0x3FC5] =	sst s2  }
0x8f: {  	_ = 	snop  }
0x90: {  	s2 =	sld [smem:$0x3FC9]  }
0x91: {  	s19 =	sld [smem:$0x3FC8]  }
0x92: {  	s4 =	sld [smem:$0x3FC7]  }
0x93: {  	s5 =	sld [smem:$0x3FD0];
	(tm) =	ssettm $0x1  }
0x94: {  	s6 =	sld [smem:$0x3FFB];
	_ =	sdelay $0x3  }
0x95: {  	_ =	strace s6  }
0x96: {  	s6 =	sld [smem:$0x3FFC];
	_ =	sdelay $0x3  }
0x97: {  	_ =	strace s6  }
0x98: {  	s6 =	sld [smem:$0x3FFD];
	_ =	sdelay $0x3  }
0x99: {  	_ =	strace s6  }
0x9a: {  	_ =	strace $0x8FFFFFFF  }
0x9b: {  	s20 =	sld [smem:$0x3FDB];
	_ =	sdelay $0x1  }
0x9c: {  	s7 =	simm.s32 $_scs_section_size  }
0x9d: {  	s8 =	simm.s32 $_size__tile_overlayer_lowered;
	s9 =	simm.s32 $_tile_overlayer_lowered  }
0x9e: {  	s23 =	simm.s32 $0x1BFF;
	s22 =	sshll.u32 s9, $0x1;
	s6 =	sadd.s32 s7, s20  }
0x9f: {  	s10 =	simm.s32 $0x0;
	s21 =	sshll.u32 s8, $0x1;
	s8 =	sadd.s32 s22, s6  }
0xa0: {  	[timem:s10], [sflag:s23] =	dma.local [hbm:s8], s21  }
0xa1: {  	_ =	swait.ge [sflag:s23], s21  }
0xa2: {  	s7 =	ssub.s32 $0x0, s21;
	[sflag:s23] =	ssyncset.done $0x0  }
0xa3: {  	[sflag:s23] =	ssyncadd.s32 s7;
	_ =	sdelay $0x1  }
0xa4: {  	s24 =	simm.s32 $0x1B8B  }
0xa5: {  	_ =	swait.ge [sflag:s24], $0x1  }
0xa6: {  	[sflag:s24] =	ssyncset.done $0x0  }
0xa7: {  	s25 =	simm.s32 $0x1B8E;
	[sflag:s24] =	ssyncadd.s32 $0xFFFFFFFF  }
0xa8: {  	s26 =	simm.s32 $execute0_lowered;
	[smem:$0x3FD2] =	sst s25  }
0xa9: {  	s7 =	sshll.u32 s26, $0x1;
	_ =	strace $0x80000046;
	[dreg:$0x1] =	wrdreg $0xFFFFFFFF  }
0xaa: {  	s28 =	simm.s32 $_size_execute0_lowered;
	s6 =	sadd.s32 s6, s7;
	[dreg:$0x0] =	wrdreg $0x0  }
0xab: {  	s7 =	sshll.u32 s28, $0x1;
	[dreg:$0x2] =	wrdreg s6  }
0xac: {  	[dreg:$0x3] =	wrdreg s7  }
0xad: {  	[dreg:$0x4] =	wrdreg $0xC0  }
0xae: {  	_ =	task [dreg:s10], $0x5FFFF  }
0xaf: {  	[dreg:$0x1] =	wrdreg $0xFFFFFFFF  }
0xb0: {  	[dreg:$0x0] =	wrdreg $0x60  }
0xb1: {  	[dreg:$0x2] =	wrdreg s2  }
0xb2: {  	[dreg:$0x3] =	wrdreg s19  }
0xb3: {  	[dreg:$0x4] =	wrdreg s4  }
0xb4: {  	[dreg:$0x5] =	wrdreg s5  }
0xb5: {  	[dreg:$0x6] =	wrdreg $0x0  }
0xb6: {  	[dreg:$0x7] =	wrdreg $0x9  }
0xb7: {  	_ =	task.clear_ibuf [dreg:s10], $0x8FFFF;
	_ =	strace $0x90000046  }
0xb8: {  	s29 =	simm.s32 $0x9;
	_ =	strace $0x80000048  }
0xb9: {  	_ =	swait.ge [sflag:s29], $0x1  }
0xba: {  	[sflag:s29] =	ssyncadd.s32 $0xFFFFFFFF  }
0xbb: {  	_ =	strace $0x90000048  }
0xbc: {  	_ =	sfence  }
0xbd: {  	s30 =	sld [smem:$0x0];
	_ =	sdelay $0x2  }
0xbe: {  	s31 =	sshll.u32 s1, $0xD;
	s1 =	sshrl.u32 s1, $0x2  }
0xbf: {  	s3 =	sand.u32 $0x4000, s31;
	s1 =	sadd.s32 s1, s30  }
0xc0: {  	s0 =	sor.u32 s3, s0;
	s1 =	sshll.u32 s1, $0x11  }
0xc1: {  	s0 =	sor.u32 s1, s0  }
0xc2: {  	s0 =	sadd.s32 $0x8F2B, s0  }
0xc3: {  	[sflag:s0] =	ssyncadd.remote.s32 $0x1  }
0xc4: {  	_ =	sfence.sel $0xFFFF  }
0xc5: {  	[dreg:$0x0] =	wrdreg $0xFFFFFFFF;
	(pc) =	sbr.abs _section_cstart, $3  }
0xc6: {  	[dreg:$0x1] =	wrdreg $0xFFFFFFFF  }
0xc7: {  	_ =	task.clear_ibuf [dreg:s10], $0x2FFFF;
	_ =	strace $0x9FFFFFFF  }
0xc8: {  	(tm) =	ssettm $0x7FFFFFFF  }
0xc9: {  	_ =	shalt  }
tec
execute0_lowered:
.L_overlay_start_1:
0x0: {  	(tag) =	ssettag $0x1  }
0x1: {  	s4 =	rddreg [dreg:$0x0]  }
0x2: {  	s5 =	rddreg [dreg:$0x1]  }
0x3: {  	s1 =	rddreg [dreg:$0x2]  }
0x4: {  	s6 =	rddreg [dreg:$0x3]  }
0x5: {  	s2 =	rddreg [dreg:$0x4]  }
0x6: {  	s0 =	rddreg [dreg:$0x5];
	s3 =	simm.s32 $0x0;
	s7 =	srdreg.scid  }
0x7: {  	s8 =	stileid.u32;
	s12 =	simm.s32 $0x2;
	s13 =	simm.s32 $0x11280  }
0x8: {  	s14 =	simm.s32 $0x1;
	s15 =	simm.s32 $0x11380;
	s16 =	simm.s32 $0x0  }
0x9: {  	[smem:$0x7FF] =	sst s3;
	s7 =	sand.u32 $0x1, s7;
	s10 =	sshll.u32 s8, $0x6  }
0xa: {  	p0 =	sne.s32 s8, $0x0;
	s9 =	ssub.s32 $0x2, s7;
	s7 =	sshll.u32 s7, $0x5  }
0xb: {  	_ =	strace $0x80000047;
	s8 =	sshrl.u32 @!p0 s2, $0x3;
	s11 =	sshrl.u32 s9, $0x1  }
0xc: {  	s7 =	sor.u32 s7, s10;
	s10 =	simm.s32 $0x11000;
	s9 =	ssub.s32 s9, s11  }
0xd: {  	s4 =	sadd.s32 s4, s7;
	s5 =	sadd.s32 s5, s7;
	s6 =	sadd.s32 s6, s7  }
0xe: {  	s11 =	simm.s32 $0x11180;
	s7 =	smax.u32 s9, $0x1;
	s9 =	simm.s32 $0x1000  }
.LBB2_1:
0xf: {  	s17 =	simm.s32 @!p0 $0x1C02  }
0x10: {  	[spmem:s8], [sflag:s17] =	dma.local @!p0 [hbm:s1], $0x2000  }
0x11: {  	s17 =	simm.s32 @!p0 $0x2  }
0x12: {  	_ =	swait.ge @!p0 [sflag:s17], $0x2000  }
0x13: {  	[sflag:s17] =	ssyncset.done @!p0 $0x0  }
0x14: {  	[sflag:s17] =	ssyncadd.s32 @!p0 $0xFFFFE000  }
0x15: {  	[bflag:$0x0] =	sbarrier.arrive $0xFFFF  }
0x16: {  	[tilespmem:s9], [sflag:$0x1] =	stream.linear.gather [spmem:s2], $0x10000, $0x38;
	[tilespmem:$0x11480] =	vst v63  }
0x17: {  	_ = 	snop  }
0x18: {  	[tilespmem:s10], [sflag:$0x1] =	stream.linear.gather [spmem:s2], $0x110, $0x38;
	[tilespmem:$0x11480] =	vst v63  }
0x19: {  	_ = 	snop  }
0x1a: {  	[tilespmem:s11], [sflag:$0x2] =	stream.linear.gather [hbm4b:s4+s3], $0x100, $0x38;
	[tilespmem:$0x11480] =	vst v63  }
0x1b: {  	_ =	swait.ge [sflag:s12], $0x100  }
0x1c: {  	[sflag:s12] =	ssyncset.done $0x0  }
0x1d: {  	[sflag:s12] =	ssyncadd.s32 $0xFFFFFF00  }
0x1e: {  	[tilespmem:s13], [sflag:$0x2] =	stream.linear.gather [hbm4b:s5+s3], $0x100, $0x38;
	[tilespmem:$0x11480] =	vst v63  }
0x1f: {  	_ =	swait.ge [sflag:s12], $0x100  }
0x20: {  	[sflag:s12] =	ssyncset.done $0x0  }
0x21: {  	[sflag:s12] =	ssyncadd.s32 $0xFFFFFF00  }
0x22: {  	_ =	swait.ge [sflag:s14], $0x10000  }
0x23: {  	[sflag:s14] =	ssyncset.done $0x0  }
0x24: {  	[sflag:s14] =	ssyncadd.s32 $0xFFFF0000  }
0x25: {  	_ =	swait.ge [sflag:s14], $0x110  }
0x26: {  	[sflag:s14] =	ssyncset.done $0x0  }
0x27: {  	s18 =	simm.s32 $0x0;
	[sflag:s14] =	ssyncadd.s32 $0xFFFFFEF0  }
0x28: {  	v0 =	vld [tilespmem:s18+$0x11180]  }
0x29: {  	v1 =	vld [tilespmem:s18+$0x11280];
	_ =	sdelay $0x3  }
0x2a: {  	v0 =	vadd.f32 $1.000000000e+00, v0  }
0x2b: {  	v1 =	vadd.f32 $1.000000000e+00, v1  }
0x2c: {  	v2 =	vmul.f32 $1.275000000e+02, v0  }
0x2d: {  	v1 =	vmul.f32 $1.275000000e+02, v1  }
0x2e: {  	v0 =	vtrunc.f32 v2  }
0x2f: {  	v4 =	vcvt.f32.s32 v0;
	v0 =	vtrunc.f32 v1  }
0x30: {  	v0 =	vcvt.f32.s32 v0  }
0x31: {  	vm0 =	vlt.s32 v4, $0xFE  }
0x32: {  	vm1 =	vlt.s32 v0, $0xFE;
	v3 =	vnsel vm0, $0xFE, v4  }
0x33: {  	v5 =	vnsel vm1, $0xFE, v0;
	v6 =	vcvt.s32.f32 v3  }
0x34: {  	v7 =	vcvt.s32.f32 v5  }
0x35: {  	v6 =	vsub.f32 v2, v6  }
0x36: {  	v14 =	vsub.f32 v1, v7  }
0x37: {  	v1 =	vshll.u32 v5, $0x8;
	v8 =	vmul.f32 v6, v6  }
0x38: {  	v7 =	vand.u32 $0x7F, v3;
	v1 =	vadd.s32 v3, v1;
	v2 =	vmul.f32 v14, v14  }
0x39: {  	v3 =	vand.u32 $0xFFFFFF80, v1;
	v9 =	vadd.s32 $0xFFFFFEFF, v1;
	v10 =	vmul.f32 v8, v6  }
0x3a: {  	v11 =	vadd.f32 v8, v8;
	v5 =	vmul.f32 v2, v14;
	v16 =	vadd.f32 v2, v2  }
0x3b: {  	v7 =	vor.u32 v7, v3  }
0x3c: {  	v12 =	vadd.s32 $0xFFFFFF00, v7;
	v3 =	vsub.f32 v10, v11;
	v13 =	vsub.f32 v5, v16  }
0x3d: {  	v17 =	vadd.s32 $0xFFFFFF01, v1;
	v15 =	vmul.f32 $2.500000000e+00, v8  }
0x3e: {  	v18 =	vmul.f32 $1.500000000e+00, v10;
	v3 =	vadd.f32 v3, v6;
	v13 =	vadd.f32 v13, v14  }
0x3f: {  	vm15 =	vgt.s32 v4, $0xFD;
	v19 =	vadd.s32 $0xFFFFFF02, v1;
	v9 =	vld.idx.msk [tilespmem:v9+s9+$0x0], $0xffff  }
0x40: {  	v15 =	vsub.f32 v18, v15;
	v3 =	vmul.f32 $-5.000000000e-01, v3;
	v13 =	vmul.f32 $-5.000000000e-01, v13  }
0x41: {  	v20 =	vadd.s32 $0xFFFFFFFF, v1;
	v6 =	vmul.f32 $5.000000000e-01, v6;
	v11 =	vsub.f32 v11, v18;
	v12 =	vld.idx.msk [tilespmem:v12+s9+$0x0], $0xffff  }
0x42: {  	s17 =	simm.s32 $0x10;
	v8 =	vsub.f32 v10, v8;
	v17 =	vld.idx.msk [tilespmem:v17+s9+$0x0], $0xffff;
	v4 =	vadd.f32 $1.000000000e+00, v15;
	v15 =	vmul.f32 v13, v3  }
0x43: {  	v22 =	vld [tilespmem:s17+$0x11280];
	v10 =	vmul.f32 $2.500000000e+00, v2;
	v18 =	vmul.f32 $1.500000000e+00, v5;
	v6 =	vadd.f32 v11, v6  }
0x44: {  	v21 =	vld [tilespmem:s17+$0x11180];
	v24 =	vadd.s32 $0x2, v1;
	v11 =	vmul.f32 v13, v4;
	v9 =	vmul.f32 v15, v9  }
0x45: {  	v8 =	vmul.f32 $5.000000000e-01, v8;
	v10 =	vsub.f32 v18, v10;
	v23 =	vmul.f32 v13, v6;
	v15 =	vld.idx.msk [tilespmem:v19+s9+$0x0], $0xffff  }
0x46: {  	v20 =	vld.idx.msk [tilespmem:v20+s9+$0x0], $0xffff;
	v19 =	vadd.s32 $0x1, v1;
	v12 =	vmul.f32 v11, v12;
	v9 =	vadd.f32 $0.0e+00, v9  }
0x47: {  	v8 =	vsel vm15, $0x0, v8;
	v11 =	vadd.f32 $1.000000000e+00, v10;
	v10 =	vmul.f32 v23, v17  }
0x48: {  	v17 =	vadd.f32 $1.000000000e+00, v22;
	v9 =	vadd.f32 v9, v12;
	v12 =	vmul.f32 v13, v8  }
0x49: {  	v23 =	vld.idx.msk [tilespmem:v1+s9+$0x0], $0xffff;
	v22 =	vadd.s32 $0xFF, v1;
	v25 =	vmul.f32 v11, v3;
	v13 =	vadd.f32 $1.000000000e+00, v21  }
0x4a: {  	v21 =	vadd.f32 v9, v10;
	v12 =	vmul.f32 v12, v15  }
0x4b: {  	v20 =	vmul.f32 v25, v20;
	v10 =	vmul.f32 $1.275000000e+02, v13;
	v13 =	vadd.s32 $0x100, v7;
	v15 =	vld.idx.msk [tilespmem:v19+s9+$0x0], $0xffff  }
0x4c: {  	v9 =	vmul.f32 $1.275000000e+02, v17;
	v19 =	vadd.f32 v21, v12;
	v21 =	vmul.f32 v11, v4  }
0x4d: {  	v17 =	vsub.f32 v16, v18;
	v18 =	vmul.f32 $5.000000000e-01, v14;
	v16 =	vadd.s32 $0x101, v1;
	v12 =	vld.idx.msk [tilespmem:v24+s9+$0x0], $0xffff  }
0x4e: {  	s19 =	simm.s32 $0x80;
	v14 =	vld.idx.msk [tilespmem:v22+s9+$0x0], $0xffff;
	v19 =	vadd.f32 v19, v20;
	v20 =	vmul.f32 v21, v23;
	v21 =	vmul.f32 v11, v6  }
.LBB2_2:
0x4f: {  	p1 =	sne.s32 s19, $0x3C0;
	v22 =	vtrunc.f32 v10;
	v17 =	vadd.f32 v17, v18;
	v18 =	vadd.s32 $0x102, v1  }
0x50: {  	v11 =	vmul.f32 v11, v8;
	v19 =	vadd.f32 v19, v20;
	v15 =	vmul.f32 v21, v15;
	v13 =	vld.idx.msk [tilespmem:v13+s9+$0x0], $0xffff  }
0x51: {  	v20 =	vcvt.f32.s32 v22;
	v21 =	vtrunc.f32 v9;
	v22 =	vadd.s32 $0x1FF, v1  }
0x52: {  	v11 =	vmul.f32 v11, v12;
	v12 =	vmul.f32 v17, v3;
	v15 =	vadd.f32 v19, v15;
	v16 =	vld.idx.msk [tilespmem:v16+s9+$0x0], $0xffff  }
0x53: {  	vm0 =	vgt.s32 v0, $0xFD;
	v7 =	vadd.s32 $0x200, v7;
	v0 =	vcvt.f32.s32 v21  }
0x54: {  	v12 =	vmul.f32 v12, v14;
	v14 =	vmul.f32 v17, v4;
	v11 =	vadd.f32 v15, v11;
	v15 =	vld.idx.msk [tilespmem:v18+s9+$0x0], $0xffff  }
0x55: {  	v2 =	vsub.f32 v5, v2;
	v5 =	vadd.s32 $0x201, v1;
	vm1 =	vlt.s32 v20, $0xFE  }
0x56: {  	v11 =	vadd.f32 v11, v12;
	v12 =	vmul.f32 v14, v13;
	v13 =	vmul.f32 v17, v6;
	v14 =	vld.idx.msk [tilespmem:v22+s9+$0x0], $0xffff  }
0x57: {  	v1 =	vadd.s32 $0x202, v1;
	v2 =	vmul.f32 $5.000000000e-01, v2;
	vm2 =	vlt.s32 v0, $0xFE  }
0x58: {  	v11 =	vadd.f32 v11, v12;
	v12 =	vmul.f32 v13, v16;
	v13 =	vmul.f32 v17, v8;
	v7 =	vld.idx.msk [tilespmem:v7+s9+$0x0], $0xffff  }
0x59: {  	v2 =	vsel vm0, $0x0, v2;
	v16 =	vnsel vm1, $0xFE, v20;
	v17 =	vnsel vm2, $0xFE, v0  }
0x5a: {  	v3 =	vmul.f32 v2, v3;
	v11 =	vadd.f32 v11, v12;
	v12 =	vmul.f32 v13, v15;
	v5 =	vld.idx.msk [tilespmem:v5+s9+$0x0], $0xffff  }
0x5b: {  	v18 =	vand.u32 $0x7F, v16;
	v13 =	vcvt.s32.f32 v16;
	v15 =	vshll.u32 v17, $0x8  }
0x5c: {  	v4 =	vmul.f32 v2, v4;
	v3 =	vmul.f32 v14, v3;
	v11 =	vadd.f32 v11, v12;
	v12 =	vld.idx.msk [tilespmem:v1+s9+$0x0], $0xffff  }
0x5d: {  	v10 =	vsub.f32 v10, v13;
	v13 =	vcvt.s32.f32 v17;
	v1 =	vadd.s32 v16, v15  }
0x5e: {  	v6 =	vmul.f32 v2, v6;
	v4 =	vmul.f32 v7, v4;
	v3 =	vadd.f32 v11, v3  }
0x5f: {  	v7 =	vand.u32 $0xFFFFFF80, v1;
	v14 =	vsub.f32 v9, v13;
	v9 =	vmul.f32 v10, v10  }
0x60: {  	v3 =	vadd.f32 v3, v4;
	v4 =	vmul.f32 v5, v6;
	v5 =	vmul.f32 v2, v8  }
0x61: {  	v7 =	vor.u32 v18, v7;
	v2 =	vmul.f32 v14, v14;
	v6 =	vadd.s32 $0xFFFFFEFF, v1  }
0x62: {  	v8 =	vmul.f32 v9, v10;
	v3 =	vadd.f32 v3, v4;
	v4 =	vmul.f32 v12, v5  }
0x63: {  	v11 =	vadd.f32 v9, v9;
	v5 =	vmul.f32 v2, v14;
	v16 =	vadd.f32 v2, v2  }
0x64: {  	v12 =	vadd.s32 $0xFFFFFF00, v7;
	v3 =	vadd.f32 v3, v4  }
0x65: {  	v4 =	vsub.f32 v8, v11;
	v13 =	vsub.f32 v5, v16  }
0x66: {  	v17 =	vadd.s32 $0xFFFFFF01, v1;
	v15 =	vmul.f32 $2.500000000e+00, v9;
	[tilespmem:s18+$0x11380] =	vst v3;
	s18 =	smov.u32 s17  }
0x67: {  	v18 =	vmul.f32 $1.500000000e+00, v8;
	v3 =	vadd.f32 v4, v10;
	v4 =	vadd.f32 v13, v14;
	v13 =	vld.idx.msk [tilespmem:v6+s9+$0x0], $0xffff  }
0x68: {  	v19 =	vadd.s32 $0xFFFFFF02, v1  }
0x69: {  	s17 =	sshra.s32 s19, $0x2;
	v6 =	vsub.f32 v18, v15;
	v3 =	vmul.f32 $-5.000000000e-01, v3;
	v15 =	vmul.f32 $-5.000000000e-01, v4;
	v12 =	vld.idx.msk [tilespmem:v12+s9+$0x0], $0xffff  }
0x6a: {  	vm0 =	vgt.s32 v20, $0xFD;
	v20 =	vadd.s32 $0xFFFFFFFF, v1;
	v10 =	vmul.f32 $5.000000000e-01, v10;
	v21 =	vld [tilespmem:s17+$0x11180]  }
0x6b: {  	v4 =	vadd.f32 $1.000000000e+00, v6;
	v6 =	vsub.f32 v11, v18;
	v11 =	vmul.f32 v15, v3;
	v17 =	vld.idx.msk [tilespmem:v17+s9+$0x0], $0xffff  }
0x6c: {  	v8 =	vsub.f32 v8, v9;
	v22 =	vmul.f32 $1.500000000e+00, v5;
	v9 =	vmul.f32 $2.500000000e+00, v2;
	v18 =	vld [tilespmem:s17+$0x11280]  }
0x6d: {  	v6 =	vadd.f32 v6, v10;
	v10 =	vmul.f32 v11, v13;
	v11 =	vmul.f32 v15, v4;
	v13 =	vld.idx.msk [tilespmem:v19+s9+$0x0], $0xffff  }
0x6e: {  	v8 =	vmul.f32 $5.000000000e-01, v8;
	v9 =	vsub.f32 v22, v9;
	v19 =	vadd.s32 $0x1, v1  }
0x6f: {  	v23 =	vmul.f32 v15, v6;
	v10 =	vadd.f32 $0.0e+00, v10;
	v12 =	vmul.f32 v11, v12;
	v20 =	vld.idx.msk [tilespmem:v20+s9+$0x0], $0xffff  }
0x70: {  	v24 =	vadd.s32 $0x2, v1;
	v8 =	vsel vm0, $0x0, v8;
	v11 =	vadd.f32 $1.000000000e+00, v9  }
0x71: {  	v9 =	vadd.f32 v10, v12;
	v10 =	vmul.f32 v23, v17;
	v12 =	vmul.f32 v15, v8;
	v23 =	vld.idx.msk [tilespmem:v1+s9+$0x0], $0xffff  }
0x72: {  	v25 =	vadd.s32 $0xFF, v1;
	v17 =	vadd.f32 $1.000000000e+00, v21;
	v18 =	vadd.f32 $1.000000000e+00, v18  }
.Ltmp0:
0x73: {  	v26 =	vmul.f32 v11, v3;
	v21 =	vadd.f32 v9, v10;
	v12 =	vmul.f32 v12, v13;
	v15 =	vld.idx.msk [tilespmem:v19+s9+$0x0], $0xffff;
	(pc) =	sbr.rel @p1 .LBB2_2-.Ltmp0, $4  }
0x74: {  	v10 =	vmul.f32 $1.275000000e+02, v17;
	v13 =	vadd.s32 $0x100, v7;
	v9 =	vmul.f32 $1.275000000e+02, v18  }
0x75: {  	v19 =	vadd.f32 v21, v12;
	v20 =	vmul.f32 v26, v20;
	v21 =	vmul.f32 v11, v4;
	v12 =	vld.idx.msk [tilespmem:v24+s9+$0x0], $0xffff  }
0x76: {  	v17 =	vsub.f32 v16, v22;
	v16 =	vadd.s32 $0x101, v1;
	v18 =	vmul.f32 $5.000000000e-01, v14  }
0x77: {  	s19 =	sadd.s32 $0x40, s19;
	v19 =	vadd.f32 v19, v20;
	v20 =	vmul.f32 v21, v23;
	v21 =	vmul.f32 v11, v6;
	v14 =	vld.idx.msk [tilespmem:v25+s9+$0x0], $0xffff  }
0x78: {  	_ = 	snop  }
0x79: {  	v22 =	vtrunc.f32 v10;
	v17 =	vadd.f32 v17, v18  }
0x7a: {  	v59 =	vadd.s32 $0x102, v1;
	v11 =	vmul.f32 v11, v8;
	v60 =	vtrunc.f32 v9  }
0x7b: {  	v61 =	vadd.s32 $0x1FF, v1;
	v19 =	vadd.f32 v19, v20;
	v15 =	vmul.f32 v21, v15  }
0x7c: {  	v13 =	vld.idx.msk [tilespmem:v13+s9+$0x0], $0xffff;
	vm0 =	vgt.s32 v0, $0xFD;
	v63 =	vadd.s32 $0x200, v7;
	v2 =	vsub.f32 v5, v2  }
0x7d: {  	v12 =	vmul.f32 v11, v12;
	v62 =	vmul.f32 v17, v3;
	v15 =	vadd.f32 v19, v15  }
0x7e: {  	v16 =	vld.idx.msk [tilespmem:v16+s9+$0x0], $0xffff;
	v26 =	vadd.s32 $0x201, v1;
	v20 =	vcvt.f32.s32 v22;
	v11 =	vcvt.f32.s32 v60  }
0x7f: {  	v24 =	vmul.f32 v17, v4;
	v23 =	vmul.f32 v62, v14;
	v21 =	vadd.f32 v15, v12  }
0x80: {  	v30 =	vadd.s32 $0x202, v1;
	v28 =	vmul.f32 v17, v6;
	v2 =	vmul.f32 $5.000000000e-01, v2;
	v25 =	vld.idx.msk [tilespmem:v59+s9+$0x0], $0xffff  }
0x81: {  	vm1 =	vlt.s32 v20, $0xFE;
	v27 =	vmul.f32 v24, v13;
	v7 =	vadd.f32 v21, v23  }
0x82: {  	v32 =	vmul.f32 v17, v8;
	vm2 =	vlt.s32 v11, $0xFE;
	v33 =	vnsel vm1, $0xFE, v20;
	v29 =	vld.idx.msk [tilespmem:v61+s9+$0x0], $0xffff  }
0x83: {  	v2 =	vsel vm0, $0x0, v2;
	v31 =	vmul.f32 v28, v16;
	v7 =	vadd.f32 v7, v27  }
0x84: {  	v0 =	vld.idx.msk [tilespmem:v63+s9+$0x0], $0xffff;
	v34 =	vnsel vm2, $0xFE, v11;
	v36 =	vmul.f32 v2, v3;
	v37 =	vcvt.s32.f32 v33  }
0x85: {  	v39 =	vmul.f32 v2, v4;
	v35 =	vmul.f32 v32, v25;
	v7 =	vadd.f32 v7, v31  }
0x86: {  	v5 =	vld.idx.msk [tilespmem:v26+s9+$0x0], $0xffff;
	v40 =	vand.u32 $0x7F, v33;
	v43 =	vmul.f32 v2, v6;
	v38 =	vshll.u32 v34, $0x8  }
0x87: {  	v1 =	vld.idx.msk [tilespmem:v30+s9+$0x0], $0xffff;
	v42 =	vcvt.s32.f32 v34;
	v3 =	vmul.f32 v29, v36;
	v7 =	vadd.f32 v7, v35  }
0x88: {  	v2 =	vmul.f32 v2, v8;
	v41 =	vsub.f32 v10, v37;
	v6 =	vadd.s32 v33, v38  }
0x89: {  	v44 =	vsub.f32 v9, v42;
	v0 =	vmul.f32 v0, v39;
	v3 =	vadd.f32 v7, v3  }
0x8a: {  	v47 =	vand.u32 $0xFFFFFF80, v6;
	v48 =	vadd.s32 $0xFFFFFEFF, v6;
	v45 =	vmul.f32 v41, v41  }
0x8b: {  	v46 =	vmul.f32 v5, v43;
	v5 =	vmul.f32 v44, v44;
	v0 =	vadd.f32 v3, v0  }
0x8c: {  	v1 =	vmul.f32 v1, v2;
	v49 =	vmul.f32 v45, v41;
	v50 =	vadd.f32 v45, v45  }
0x8d: {  	v51 =	vadd.f32 v5, v5;
	v3 =	vmul.f32 v5, v44;
	v0 =	vadd.f32 v0, v46  }
0x8e: {  	v4 =	vor.u32 v40, v47;
	v53 =	vsub.f32 v49, v50  }
0x8f: {  	v52 =	vadd.s32 $0xFFFFFF00, v4;
	v54 =	vsub.f32 v3, v51;
	v0 =	vadd.f32 v0, v1  }
0x90: {  	v56 =	vadd.s32 $0xFFFFFF01, v6;
	v55 =	vmul.f32 $2.500000000e+00, v45  }
0x91: {  	v58 =	vmul.f32 $1.500000000e+00, v49;
	v57 =	vadd.f32 v53, v41;
	v15 =	vadd.f32 v54, v44;
	[tilespmem:s18+$0x11380] =	vst v0  }
0x92: {  	v59 =	vadd.s32 $0xFFFFFF02, v6;
	v8 =	vld.idx.msk [tilespmem:v48+s9+$0x0], $0xffff  }
0x93: {  	v16 =	vsub.f32 v58, v55;
	v0 =	vmul.f32 $-5.000000000e-01, v57;
	v15 =	vmul.f32 $-5.000000000e-01, v15  }
0x94: {  	vm14 =	vgt.s32 v20, $0xFD;
	v60 =	vadd.s32 $0xFFFFFFFF, v6;
	v10 =	vmul.f32 $5.000000000e-01, v41;
	v1 =	vld.idx.msk [tilespmem:v52+s9+$0x0], $0xffff  }
0x95: {  	v2 =	vsub.f32 v50, v58;
	v16 =	vadd.f32 $1.000000000e+00, v16;
	v61 =	vmul.f32 v15, v0  }
0x96: {  	v63 =	vmul.f32 $2.500000000e+00, v5;
	v9 =	vsub.f32 v49, v45;
	v62 =	vmul.f32 $1.500000000e+00, v3;
	v17 =	vld.idx.msk [tilespmem:v56+s9+$0x0], $0xffff  }
0x97: {  	v2 =	vadd.f32 v2, v10;
	v24 =	vmul.f32 v15, v16;
	v8 =	vmul.f32 v61, v8  }
0x98: {  	v27 =	vadd.s32 $0x1, v6;
	v9 =	vmul.f32 $5.000000000e-01, v9;
	v26 =	vsub.f32 v62, v63;
	v25 =	vld.idx.msk [tilespmem:v59+s9+$0x0], $0xffff  }
0x99: {  	v28 =	vmul.f32 v15, v2;
	v1 =	vmul.f32 v24, v1;
	v8 =	vadd.f32 $0.0e+00, v8  }
0x9a: {  	v29 =	vadd.s32 $0x2, v6;
	v9 =	vsel vm14, $0x0, v9;
	v18 =	vadd.f32 $1.000000000e+00, v26;
	v19 =	vld.idx.msk [tilespmem:v60+s9+$0x0], $0xffff  }
0x9b: {  	v31 =	vmul.f32 v15, v9;
	v30 =	vmul.f32 v28, v17;
	v1 =	vadd.f32 v8, v1  }
0x9c: {  	v33 =	vadd.s32 $0xFF, v6;
	v32 =	vld.idx.msk [tilespmem:v6+s9+$0x0], $0xffff  }
0x9d: {  	v35 =	vmul.f32 v18, v0;
	v34 =	vmul.f32 v31, v25;
	v1 =	vadd.f32 v1, v30  }
0x9e: {  	v37 =	vadd.s32 $0x100, v4;
	v36 =	vld.idx.msk [tilespmem:v27+s9+$0x0], $0xffff  }
0x9f: {  	v39 =	vmul.f32 v18, v16;
	v38 =	vmul.f32 v35, v19;
	v1 =	vadd.f32 v1, v34  }
0xa0: {  	v7 =	vmul.f32 $5.000000000e-01, v44;
	v41 =	vadd.s32 $0x101, v6;
	v13 =	vsub.f32 v51, v62;
	v40 =	vld.idx.msk [tilespmem:v29+s9+$0x0], $0xffff  }
0xa1: {  	v43 =	vmul.f32 v18, v2;
	v42 =	vmul.f32 v39, v32;
	v1 =	vadd.f32 v1, v38  }
0xa2: {  	v45 =	vadd.s32 $0x102, v6;
	v7 =	vadd.f32 v13, v7;
	v44 =	vld.idx.msk [tilespmem:v33+s9+$0x0], $0xffff  }
0xa3: {  	v47 =	vmul.f32 v18, v9;
	v46 =	vmul.f32 v43, v36;
	v1 =	vadd.f32 v1, v42  }
0xa4: {  	v49 =	vadd.s32 $0x1FF, v6;
	v48 =	vld.idx.msk [tilespmem:v37+s9+$0x0], $0xffff  }
0xa5: {  	v51 =	vmul.f32 v7, v0;
	v50 =	vmul.f32 v47, v40;
	v1 =	vadd.f32 v1, v46  }
0xa6: {  	v4 =	vadd.s32 $0x200, v4;
	v14 =	vld.idx.msk [tilespmem:v41+s9+$0x0], $0xffff  }
0xa7: {  	v53 =	vmul.f32 v7, v16;
	v52 =	vmul.f32 v51, v44;
	v1 =	vadd.f32 v1, v50  }
0xa8: {  	v3 =	vsub.f32 v3, v5;
	v54 =	vadd.s32 $0x201, v6;
	v13 =	vld.idx.msk [tilespmem:v45+s9+$0x0], $0xffff  }
0xa9: {  	v56 =	vmul.f32 v7, v2;
	v55 =	vmul.f32 v53, v48;
	v1 =	vadd.f32 v1, v52  }
0xaa: {  	vm15 =	vgt.s32 v11, $0xFD;
	v3 =	vmul.f32 $5.000000000e-01, v3;
	v57 =	vld.idx.msk [tilespmem:v49+s9+$0x0], $0xffff;
	v6 =	vadd.s32 $0x202, v6  }
0xab: {  	v7 =	vmul.f32 v7, v9;
	v58 =	vmul.f32 v56, v14;
	v1 =	vadd.f32 v1, v55  }
0xac: {  	v3 =	vsel vm15, $0x0, v3;
	v4 =	vld.idx.msk [tilespmem:v4+s9+$0x0], $0xffff  }
0xad: {  	v0 =	vmul.f32 v3, v0;
	v7 =	vmul.f32 v7, v13;
	v1 =	vadd.f32 v1, v58  }
0xae: {  	v5 =	vld.idx.msk [tilespmem:v54+s9+$0x0], $0xffff  }
0xaf: {  	v59 =	vmul.f32 v3, v16;
	v0 =	vmul.f32 v57, v0;
	v1 =	vadd.f32 v1, v7  }
0xb0: {  	v6 =	vld.idx.msk [tilespmem:v6+s9+$0x0], $0xffff  }
0xb1: {  	v2 =	vmul.f32 v3, v2;
	v60 =	vmul.f32 v4, v59;
	v0 =	vadd.f32 v1, v0;
	_ =	sdelay $0x1  }
0xb2: {  	v62 =	vmul.f32 v3, v9;
	v61 =	vmul.f32 v5, v2;
	v0 =	vadd.f32 v0, v60;
	_ =	sdelay $0x1  }
0xb3: {  	v63 =	vmul.f32 v6, v62;
	v0 =	vadd.f32 v0, v61;
	_ =	sdelay $0x1  }
0xb4: {  	s16 =	sadd.s32 $0x1, s16;
	v0 =	vadd.f32 v0, v63  }
0xb5: {  	p1 =	sne.s32 s16, s7  }
.Ltmp1:
0xb6: {  	[tilespmem:s17+$0x11380] =	vst v0;
	(pc) =	sbr.rel @p1 .LBB2_1-.Ltmp1, $4  }
0xb7: {  	[hbm4b:s6+s3] =	stream.linear.scatter [tilespmem:s15], [sflag:$0x2], $0x100, $0x38;
	[tilespmem:$0x11480] =	vst v63  }
0xb8: {  	_ =	swait.ge [sflag:s12], $0x100  }
0xb9: {  	[sflag:s12] =	ssyncset.done $0x0  }
0xba: {  	[sflag:s12] =	ssyncadd.s32 $0xFFFFFF00  }
0xbb: {  	_ =	sfence.sel $0x180000  }
0xbc: {  	[bflag:$0x0] =	sbarrier.arrive $0xFFFF  }
0xbd: {  	_ =	strace $0x90000047  }
0xbe: {  	s0 =	sadd.s32 @!p0 $0x100000, s0;
	[bflag:$0x2] =	sbarrier.arrive $0xFFFF  }
0xbf: {  	[sflag:s0] =	ssyncadd.tile.s32 @!p0 $0x1;
	_ =	shalt  }
.Lfunc_end2:
_tile_overlayer_lowered:
.L_overlay_start_2:
0xc0: {  	(tag) =	ssettag $0x2  }
0xc1: {  	s0 =	rddreg [dreg:$0x0];
	s2 =	stileid.u32  }
0xc2: {  	s1 =	rddreg [dreg:$0x1];
	p0 =	sne.s32 s2, $0x0  }
0xc3: {  	s3 =	rddreg [dreg:$0x2];
	[bflag:$0x3] =	sbarrier.arrive $0xFFFF;
	s2 =	simm.s32 @!p0 $0x1C02  }
0xc4: {  	[timem:s3], [sflag:s2] =	dma.local @!p0 [hbm:s0], s1  }
0xc5: {  	s0 =	simm.s32 @!p0 $0x2  }
0xc6: {  	_ =	swait.ge @!p0 [sflag:s0], s1  }
0xc7: {  	s1 =	ssub.s32 @!p0 $0x0, s1;
	[sflag:s0] =	ssyncset.done @!p0 $0x0  }
0xc8: {  	[sflag:s0] =	ssyncadd.s32 @!p0 s1  }
0xc9: {  	[bflag:$0x3] =	sbarrier.arrive $0xFFFF  }
0xca: {  	_ =	shalt  }

</sc_bundles>
